<compile_context>
chip_gen: v7x
topology: tpu7x:2x2x1
jax: 0.10.2.dev20260603
libtpu: 0.0.44.dev20260713+nightly
codegen_flags: <defaults>
</compile_context>

<pallas_src>
import functools

import jax
import jax.numpy as jnp
from jax import lax
from jax.experimental import pallas as pl
from jax.experimental.pallas import tpu as pltpu
from jax.experimental.pallas import tpu_sc as plsc

_VOCAB = 100000
_D = 128
_SEQ = 200
_BATCH = 4096

_NC = 2
_NS = 16
_LANES = 16
_NW = _NC * _NS
_BPW = _BATCH // _NW
_GROUPS = _BPW // _LANES

_G_STEPS = 5
_ROWS_PER_BLOCK = _VOCAB // _G_STEPS
_VOCAB_PADDED = ((_VOCAB + 127) // 128) * 128


def _table_proj_body(emb_ref, w_ref, b_ref, out_ref):
    g = pl.program_id(0)
    e = emb_ref[0]
    s = jax.lax.dot_general(
        w_ref[...], e, (((1,), (1,)), ((), ())),
        preferred_element_type=jnp.float32,
    )
    s = (s + b_ref[0]) * (1.0 / _SEQ)
    for k in range(_G_STEPS):
        @pl.when(g == k)
        def _store(k=k):
            out_ref[0, :, k * _ROWS_PER_BLOCK:(k + 1) * _ROWS_PER_BLOCK] = s


def _project_table(emb3, fc_w, fc_b):
    return pl.pallas_call(
        _table_proj_body,
        grid=(_G_STEPS,),
        in_specs=[
            pl.BlockSpec((1, _ROWS_PER_BLOCK, _D), lambda g: (g, 0, 0)),
            pl.BlockSpec((1, _D), lambda g: (0, 0)),
            pl.BlockSpec(memory_space=pltpu.SMEM),
        ],
        out_specs=pl.BlockSpec((1, 1, _VOCAB_PADDED), lambda g: (0, 0, 0)),
        out_shape=jax.ShapeDtypeStruct((1, 1, _VOCAB_PADDED), jnp.float32),
    )(emb3, fc_w, fc_b)


_SC_MESH = plsc.VectorSubcoreMesh(
    core_axis_name="c", subcore_axis_name="s", num_cores=_NC, num_subcores=_NS
)


@functools.partial(
    pl.kernel,
    mesh=_SC_MESH,
    compiler_params=pltpu.CompilerParams(needs_layout_passes=False),
    out_type=jax.ShapeDtypeStruct((_BATCH,), jnp.float32),
    scratch_types=[
        pltpu.VMEM((_SEQ, _BPW), jnp.int32),
        pltpu.VMEM((_VOCAB_PADDED,), jnp.float32),
        pltpu.VMEM_SHARED((2 * 25088,), jnp.float32),
        pltpu.VMEM((_BPW,), jnp.float32),
        pltpu.SemaphoreType.DMA,
        pltpu.SemaphoreType.DMA,
    ],
)
def _sc_pool(x_hbm, p_hbm, out_hbm, idx_v, p_v, p_sh, out_v, sem, sem_fan):
    _HALF = _VOCAB_PADDED // 2
    sid = lax.axis_index("s")
    wid = sid * _NC + lax.axis_index("c")
    base = wid * _BPW
    with jax.named_scope("dma_start"):
        cp_idx = pltpu.async_copy(x_hbm.at[:, pl.ds(base, _BPW)], idx_v, sem)

    _Q = 25088
    _SIZES = (25088, 25088, 25088, _VOCAB_PADDED - 3 * 25088)
    with jax.named_scope("dma_wait"):
        @pl.when(sid == 0)
        def _stage_p0():
            pltpu.sync_copy(
                p_hbm.at[0, 0, pl.ds(0, _SIZES[0])], p_sh.at[pl.ds(0, _SIZES[0])]
            )

        plsc.subcore_barrier()
        for c in range(4):
            buf = (c % 2) * _Q

            if c < 3:
                @pl.when(sid == 0)
                def _stage_next(c=c):
                    nxt = ((c + 1) % 2) * _Q
                    pltpu.async_copy(
                        p_hbm.at[0, 0, pl.ds((c + 1) * _Q, _SIZES[c + 1])],
                        p_sh.at[pl.ds(nxt, _SIZES[c + 1])], sem_fan,
                    )

            pltpu.sync_copy(
                p_sh.at[pl.ds(buf, _SIZES[c])], p_v.at[pl.ds(c * _Q, _SIZES[c])]
            )

            if c < 3:
                @pl.when(sid == 0)
                def _stage_wait(c=c):
                    nxt = ((c + 1) % 2) * _Q
                    pltpu.make_async_copy(
                        p_hbm.at[0, 0, pl.ds((c + 1) * _Q, _SIZES[c + 1])],
                        p_sh.at[pl.ds(nxt, _SIZES[c + 1])], sem_fan,
                    ).wait()

            plsc.subcore_barrier()
        cp_idx.wait()

    zero = jnp.zeros((_LANES,), jnp.float32)

    def body(l, accs):
        new = []
        for g in range(_GROUPS):
            idx = idx_v[l, pl.ds(g * _LANES, _LANES)]
            new.append(accs[g] + plsc.load_gather(p_v, [idx]))
        return tuple(new)

    with jax.named_scope("gather_loop"):
        accs = lax.fori_loop(0, _SEQ, body, (zero,) * _GROUPS)
    with jax.named_scope("writeback"):
        for g in range(_GROUPS):
            out_v[pl.ds(g * _LANES, _LANES)] = accs[g]
        pltpu.sync_copy(out_v, out_hbm.at[pl.ds(base, _BPW)])


def kernel(x, emb_table, fc_w, fc_b):
    emb3 = emb_table.reshape(_G_STEPS, _ROWS_PER_BLOCK, _D)
    p3 = _project_table(emb3, fc_w, fc_b)
    return _sc_pool(x, p3)

# --- scband reference (transcript-rebuilt; emitter-appended) ---
"""Pipeline reference for scband-baseline-46703474377414 (READ-ONLY COPY).

The authoritative reference and input builder live on the scoring server;
editing this copy changes nothing except your own understanding.
"""

import jax, jax.numpy as jnp
import numpy as np

VOCAB = 100000
EMBED_DIM = 128
SEQ_LEN = 200
BATCH = 4096


def setup_inputs(seed: int = 0) -> dict:
    key = jax.random.key(seed)
    k1, k2, k3, k4 = jax.random.split(key, 4)
    x = jax.random.randint(k1, (SEQ_LEN, BATCH), 0, VOCAB, dtype=jnp.int64 if jax.config.jax_enable_x64 else jnp.int32).astype(jnp.int32)
    # learned params: pretrained embedding table, linear weight/bias (torch Linear: W [out,in], b [out])
    emb_table = jax.random.normal(k2, (VOCAB, EMBED_DIM), dtype=jnp.float32)
    fc_w = jax.random.normal(k3, (1, EMBED_DIM), dtype=jnp.float32) * (1.0 / np.sqrt(EMBED_DIM))
    fc_b = jax.random.normal(k4, (1,), dtype=jnp.float32) * 0.01
    return {"x": x, "emb_table": emb_table, "fc_w": fc_w, "fc_b": fc_b}


def reference(x, emb_table, fc_w, fc_b):
    # embedding lookup: [L, B] -> [L, B, D]
    embedded = jnp.take(emb_table, x, axis=0)
    # mean over dim 0 (sequence): [B, D]
    average = jnp.mean(embedded, axis=0)
    # linear D -> 1, then squeeze(1): [B]
    output = (average @ fc_w.T + fc_b)[:, 0]
    return output

if __name__ == "__main__":
    import jax
    _d = setup_inputs()
    print(jax.jit(kernel)(*tuple(_d.values())))

</pallas_src>

<mosaic_0001>
#map = affine_map<(d0, d1) -> (0, 0)>
#map1 = affine_map<(d0, d1) -> (0, 0, 0)>
#map2 = affine_map<(d0, d1) -> (0)>
module attributes {stable_mosaic.version = 14 : i64} {
  func.func @_sc_pool(%arg0: i32, %arg1: i32, %arg2: memref<200x4096xi32, #tpu.memory_space<hbm>>, %arg3: memref<1x1x100096xf32, #tpu.memory_space<hbm>>, %arg4: memref<4096xf32, #tpu.memory_space<hbm>>, %arg5: memref<200x128xi32, #tpu.memory_space<vmem>>, %arg6: memref<100096xf32, #tpu.memory_space<vmem>>, %arg7: memref<50176xf32, #tpu.memory_space<vmem_shared>>, %arg8: memref<128xf32, #tpu.memory_space<vmem>>, %arg9: memref<!tpu.dma_semaphore, #tpu.memory_space<semaphore_mem>>, %arg10: memref<!tpu.dma_semaphore, #tpu.memory_space<semaphore_mem>>) attributes {dimension_semantics = [#tpu.dimension_semantics<core_parallel>, #tpu.dimension_semantics<subcore_parallel>], iteration_bounds = array<i64: 2, 16>, scalar_prefetch = 0 : i64, scratch_operands = 6 : i64, tpu.core_type = #tpu.core_type<sc_vector_subcore>, window_params = [{transform_indices = #map}, {transform_indices = #map1}, {transform_indices = #map2}]} {
    %mul3A = arith.constant 2 : i32
    %mul3A_0 = arith.muli %arg1, %mul3A : i32
    %add3A = arith.addi %mul3A_0, %arg0 : i32
    %mul3A_1 = arith.constant 128 : i32
    %mul3A_2 = arith.muli %add3A, %mul3A_1 : i32
    "tpu.trace_start"() <{level = 10 : i32, message = "dma_start"}> : () -> ()
    %dma_start3A = arith.constant 0 : i32
    %dma_start3A_3 = tpu.memref_slice %arg2[%dma_start3A, %mul3A_2] : memref<200x4096xi32, #tpu.memory_space<hbm>> -> memref<200x128xi32, #tpu.memory_space<hbm>>
    %dma_start3A_4 = arith.constant 0 : i32
    %dma_start3A_5 = tpu.memref_slice %arg2[%dma_start3A_4, %mul3A_2] : memref<200x4096xi32, #tpu.memory_space<hbm>> -> memref<200x128xi32, #tpu.memory_space<hbm>>
    tpu.enqueue_dma source(%dma_start3A_5 : memref<200x128xi32, #tpu.memory_space<hbm>>) target(%arg5 : memref<200x128xi32, #tpu.memory_space<vmem>>) target_semaphore(%arg9 : memref<!tpu.dma_semaphore, #tpu.memory_space<semaphore_mem>>)
    %eq3A = arith.constant 0 : i32
    "tpu.trace_stop"() : () -> ()
    "tpu.trace_start"() <{level = 10 : i32, message = "dma_wait"}> : () -> ()
    %eq3A_6 = arith.cmpi eq, %arg1, %eq3A : i32
    %convert_element_type3A = arith.extui %eq3A_6 : i1 to i32
    %cond3A = arith.constant 0 : i32
    %cond3A_7 = arith.cmpi ne, %convert_element_type3A, %cond3A : i32
    scf.if %cond3A_7 {
      %run_scoped3A = arith.constant 0 : i32
      %run_scoped3A_66 = arith.constant 0 : i32
      "tpu.region"() ({
        %run_scoped3A_67 = tpu.sem_alloc : memref<!tpu.dma_semaphore, #tpu.memory_space<semaphore_mem>>
        %dma_start3A_68 = arith.constant 0 : i32
        %dma_start3A_69 = tpu.memref_slice %arg7[%dma_start3A_68] : memref<50176xf32, #tpu.memory_space<vmem_shared>> -> memref<25088xf32, #tpu.memory_space<vmem_shared>>
        %dma_start3A_70 = arith.constant 0 : i32
        %dma_start3A_71 = tpu.memref_slice %arg3[%run_scoped3A, %run_scoped3A_66, %dma_start3A_70] : memref<1x1x100096xf32, #tpu.memory_space<hbm>> -> memref<1x1x25088xf32, #tpu.memory_space<hbm>>
        %dma_start3A_72 = tpu.memref_squeeze %dma_start3A_71 : memref<1x1x25088xf32, #tpu.memory_space<hbm>> -> memref<25088xf32, #tpu.memory_space<hbm>>
        tpu.enqueue_dma source(%dma_start3A_72 : memref<25088xf32, #tpu.memory_space<hbm>>) target(%dma_start3A_69 : memref<25088xf32, #tpu.memory_space<vmem_shared>>) target_semaphore(%run_scoped3A_67 : memref<!tpu.dma_semaphore, #tpu.memory_space<semaphore_mem>>)
        %dma_wait3A_73 = arith.constant 0 : i32
        %dma_wait3A_74 = tpu.memref_slice %arg7[%dma_wait3A_73] : memref<50176xf32, #tpu.memory_space<vmem_shared>> -> memref<25088xf32, #tpu.memory_space<vmem_shared>>
        %dma_wait3A_75 = arith.constant 0 : i32
        %dma_wait3A_76 = tpu.memref_slice %arg3[%run_scoped3A, %run_scoped3A_66, %dma_wait3A_75] : memref<1x1x100096xf32, #tpu.memory_space<hbm>> -> memref<1x1x25088xf32, #tpu.memory_space<hbm>>
        %dma_wait3A_77 = tpu.memref_squeeze %dma_wait3A_76 : memref<1x1x25088xf32, #tpu.memory_space<hbm>> -> memref<25088xf32, #tpu.memory_space<hbm>>
        tpu.wait_dma2 semaphore(%run_scoped3A_67 : memref<!tpu.dma_semaphore, #tpu.memory_space<semaphore_mem>>) src(%dma_wait3A_77 : memref<25088xf32, #tpu.memory_space<hbm>>) dst(%dma_wait3A_74 : memref<25088xf32, #tpu.memory_space<vmem_shared>>)
        tpu.yield
      }) : () -> ()
    } else {
    }
    %barrier3A = arith.constant 0 : index
    tpu.barrier barrier_id(%barrier3A)
    %eq3A_8 = arith.constant 0 : i32
    %eq3A_9 = arith.cmpi eq, %arg1, %eq3A_8 : i32
    %convert_element_type3A_10 = arith.extui %eq3A_9 : i1 to i32
    %cond3A_11 = arith.constant 0 : i32
    %cond3A_12 = arith.cmpi ne, %convert_element_type3A_10, %cond3A_11 : i32
    scf.if %cond3A_12 {
      %dma_start3A_66 = arith.constant 0 : i32
      %dma_start3A_67 = arith.constant 0 : i32
      %dma_start3A_68 = arith.constant 25088 : i32
      %dma_start3A_69 = tpu.memref_slice %arg7[%dma_start3A_68] : memref<50176xf32, #tpu.memory_space<vmem_shared>> -> memref<25088xf32, #tpu.memory_space<vmem_shared>>
      %dma_start3A_70 = arith.constant 25088 : i32
      %dma_start3A_71 = tpu.memref_slice %arg3[%dma_start3A_66, %dma_start3A_67, %dma_start3A_70] : memref<1x1x100096xf32, #tpu.memory_space<hbm>> -> memref<1x1x25088xf32, #tpu.memory_space<hbm>>
      %dma_start3A_72 = tpu.memref_squeeze %dma_start3A_71 : memref<1x1x25088xf32, #tpu.memory_space<hbm>> -> memref<25088xf32, #tpu.memory_space<hbm>>
      tpu.enqueue_dma source(%dma_start3A_72 : memref<25088xf32, #tpu.memory_space<hbm>>) target(%dma_start3A_69 : memref<25088xf32, #tpu.memory_space<vmem_shared>>) target_semaphore(%arg10 : memref<!tpu.dma_semaphore, #tpu.memory_space<semaphore_mem>>)
    } else {
    }
    "tpu.region"() ({
      %run_scoped3A = tpu.sem_alloc : memref<!tpu.dma_semaphore, #tpu.memory_space<semaphore_mem>>
      %dma_start3A_66 = arith.constant 0 : i32
      %dma_start3A_67 = tpu.memref_slice %arg6[%dma_start3A_66] : memref<100096xf32, #tpu.memory_space<vmem>> -> memref<25088xf32, #tpu.memory_space<vmem>>
      %dma_start3A_68 = arith.constant 0 : i32
      %dma_start3A_69 = tpu.memref_slice %arg7[%dma_start3A_68] : memref<50176xf32, #tpu.memory_space<vmem_shared>> -> memref<25088xf32, #tpu.memory_space<vmem_shared>>
      %dma_start3A_70 = arith.constant 0 : i32
      %dma_start3A_71 = tpu.memref_slice %arg6[%dma_start3A_70] : memref<100096xf32, #tpu.memory_space<vmem>> -> memref<25088xf32, #tpu.memory_space<vmem>>
      %dma_start3A_72 = arith.constant 0 : i32
      %dma_start3A_73 = tpu.memref_slice %arg7[%dma_start3A_72] : memref<50176xf32, #tpu.memory_space<vmem_shared>> -> memref<25088xf32, #tpu.memory_space<vmem_shared>>
      tpu.enqueue_dma source(%dma_start3A_73 : memref<25088xf32, #tpu.memory_space<vmem_shared>>) target(%dma_start3A_71 : memref<25088xf32, #tpu.memory_space<vmem>>) target_semaphore(%run_scoped3A : memref<!tpu.dma_semaphore, #tpu.memory_space<semaphore_mem>>)
      %dma_wait3A_74 = arith.constant 0 : i32
      %dma_wait3A_75 = tpu.memref_slice %arg6[%dma_wait3A_74] : memref<100096xf32, #tpu.memory_space<vmem>> -> memref<25088xf32, #tpu.memory_space<vmem>>
      %dma_wait3A_76 = arith.constant 0 : i32
      %dma_wait3A_77 = tpu.memref_slice %arg7[%dma_wait3A_76] : memref<50176xf32, #tpu.memory_space<vmem_shared>> -> memref<25088xf32, #tpu.memory_space<vmem_shared>>
      %dma_wait3A_78 = arith.constant 0 : i32
      %dma_wait3A_79 = tpu.memref_slice %arg6[%dma_wait3A_78] : memref<100096xf32, #tpu.memory_space<vmem>> -> memref<25088xf32, #tpu.memory_space<vmem>>
      %dma_wait3A_80 = arith.constant 0 : i32
      %dma_wait3A_81 = tpu.memref_slice %arg7[%dma_wait3A_80] : memref<50176xf32, #tpu.memory_space<vmem_shared>> -> memref<25088xf32, #tpu.memory_space<vmem_shared>>
      tpu.wait_dma2 semaphore(%run_scoped3A : memref<!tpu.dma_semaphore, #tpu.memory_space<semaphore_mem>>) src(%dma_wait3A_81 : memref<25088xf32, #tpu.memory_space<vmem_shared>>) dst(%dma_wait3A_79 : memref<25088xf32, #tpu.memory_space<vmem>>)
      tpu.yield
    }) : () -> ()
    %eq3A_13 = arith.constant 0 : i32
    %eq3A_14 = arith.cmpi eq, %arg1, %eq3A_13 : i32
    %convert_element_type3A_15 = arith.extui %eq3A_14 : i1 to i32
    %cond3A_16 = arith.constant 0 : i32
    %cond3A_17 = arith.cmpi ne, %convert_element_type3A_15, %cond3A_16 : i32
    scf.if %cond3A_17 {
      %dma_wait3A_66 = arith.constant 0 : i32
      %dma_wait3A_67 = arith.constant 0 : i32
      %dma_wait3A_68 = arith.constant 25088 : i32
      %dma_wait3A_69 = tpu.memref_slice %arg7[%dma_wait3A_68] : memref<50176xf32, #tpu.memory_space<vmem_shared>> -> memref<25088xf32, #tpu.memory_space<vmem_shared>>
      %dma_wait3A_70 = arith.constant 25088 : i32
      %dma_wait3A_71 = tpu.memref_slice %arg3[%dma_wait3A_66, %dma_wait3A_67, %dma_wait3A_70] : memref<1x1x100096xf32, #tpu.memory_space<hbm>> -> memref<1x1x25088xf32, #tpu.memory_space<hbm>>
      %dma_wait3A_72 = tpu.memref_squeeze %dma_wait3A_71 : memref<1x1x25088xf32, #tpu.memory_space<hbm>> -> memref<25088xf32, #tpu.memory_space<hbm>>
      tpu.wait_dma2 semaphore(%arg10 : memref<!tpu.dma_semaphore, #tpu.memory_space<semaphore_mem>>) src(%dma_wait3A_72 : memref<25088xf32, #tpu.memory_space<hbm>>) dst(%dma_wait3A_69 : memref<25088xf32, #tpu.memory_space<vmem_shared>>)
    } else {
    }
    %barrier3A_18 = arith.constant 0 : index
    tpu.barrier barrier_id(%barrier3A_18)
    %eq3A_19 = arith.constant 0 : i32
    %eq3A_20 = arith.cmpi eq, %arg1, %eq3A_19 : i32
    %convert_element_type3A_21 = arith.extui %eq3A_20 : i1 to i32
    %cond3A_22 = arith.constant 0 : i32
    %cond3A_23 = arith.cmpi ne, %convert_element_type3A_21, %cond3A_22 : i32
    scf.if %cond3A_23 {
      %dma_start3A_66 = arith.constant 0 : i32
      %dma_start3A_67 = arith.constant 0 : i32
      %dma_start3A_68 = arith.constant 0 : i32
      %dma_start3A_69 = tpu.memref_slice %arg7[%dma_start3A_68] : memref<50176xf32, #tpu.memory_space<vmem_shared>> -> memref<25088xf32, #tpu.memory_space<vmem_shared>>
      %dma_start3A_70 = arith.constant 50176 : i32
      %dma_start3A_71 = tpu.memref_slice %arg3[%dma_start3A_66, %dma_start3A_67, %dma_start3A_70] : memref<1x1x100096xf32, #tpu.memory_space<hbm>> -> memref<1x1x25088xf32, #tpu.memory_space<hbm>>
      %dma_start3A_72 = tpu.memref_squeeze %dma_start3A_71 : memref<1x1x25088xf32, #tpu.memory_space<hbm>> -> memref<25088xf32, #tpu.memory_space<hbm>>
      tpu.enqueue_dma source(%dma_start3A_72 : memref<25088xf32, #tpu.memory_space<hbm>>) target(%dma_start3A_69 : memref<25088xf32, #tpu.memory_space<vmem_shared>>) target_semaphore(%arg10 : memref<!tpu.dma_semaphore, #tpu.memory_space<semaphore_mem>>)
    } else {
    }
    "tpu.region"() ({
      %run_scoped3A = tpu.sem_alloc : memref<!tpu.dma_semaphore, #tpu.memory_space<semaphore_mem>>
      %dma_start3A_66 = arith.constant 25088 : i32
      %dma_start3A_67 = tpu.memref_slice %arg6[%dma_start3A_66] : memref<100096xf32, #tpu.memory_space<vmem>> -> memref<25088xf32, #tpu.memory_space<vmem>>
      %dma_start3A_68 = arith.constant 25088 : i32
      %dma_start3A_69 = tpu.memref_slice %arg7[%dma_start3A_68] : memref<50176xf32, #tpu.memory_space<vmem_shared>> -> memref<25088xf32, #tpu.memory_space<vmem_shared>>
      %dma_start3A_70 = arith.constant 25088 : i32
      %dma_start3A_71 = tpu.memref_slice %arg6[%dma_start3A_70] : memref<100096xf32, #tpu.memory_space<vmem>> -> memref<25088xf32, #tpu.memory_space<vmem>>
      %dma_start3A_72 = arith.constant 25088 : i32
      %dma_start3A_73 = tpu.memref_slice %arg7[%dma_start3A_72] : memref<50176xf32, #tpu.memory_space<vmem_shared>> -> memref<25088xf32, #tpu.memory_space<vmem_shared>>
      tpu.enqueue_dma source(%dma_start3A_73 : memref<25088xf32, #tpu.memory_space<vmem_shared>>) target(%dma_start3A_71 : memref<25088xf32, #tpu.memory_space<vmem>>) target_semaphore(%run_scoped3A : memref<!tpu.dma_semaphore, #tpu.memory_space<semaphore_mem>>)
      %dma_wait3A_74 = arith.constant 25088 : i32
      %dma_wait3A_75 = tpu.memref_slice %arg6[%dma_wait3A_74] : memref<100096xf32, #tpu.memory_space<vmem>> -> memref<25088xf32, #tpu.memory_space<vmem>>
      %dma_wait3A_76 = arith.constant 25088 : i32
      %dma_wait3A_77 = tpu.memref_slice %arg7[%dma_wait3A_76] : memref<50176xf32, #tpu.memory_space<vmem_shared>> -> memref<25088xf32, #tpu.memory_space<vmem_shared>>
      %dma_wait3A_78 = arith.constant 25088 : i32
      %dma_wait3A_79 = tpu.memref_slice %arg6[%dma_wait3A_78] : memref<100096xf32, #tpu.memory_space<vmem>> -> memref<25088xf32, #tpu.memory_space<vmem>>
      %dma_wait3A_80 = arith.constant 25088 : i32
      %dma_wait3A_81 = tpu.memref_slice %arg7[%dma_wait3A_80] : memref<50176xf32, #tpu.memory_space<vmem_shared>> -> memref<25088xf32, #tpu.memory_space<vmem_shared>>
      tpu.wait_dma2 semaphore(%run_scoped3A : memref<!tpu.dma_semaphore, #tpu.memory_space<semaphore_mem>>) src(%dma_wait3A_81 : memref<25088xf32, #tpu.memory_space<vmem_shared>>) dst(%dma_wait3A_79 : memref<25088xf32, #tpu.memory_space<vmem>>)
      tpu.yield
    }) : () -> ()
    %eq3A_24 = arith.constant 0 : i32
    %eq3A_25 = arith.cmpi eq, %arg1, %eq3A_24 : i32
    %convert_element_type3A_26 = arith.extui %eq3A_25 : i1 to i32
    %cond3A_27 = arith.constant 0 : i32
    %cond3A_28 = arith.cmpi ne, %convert_element_type3A_26, %cond3A_27 : i32
    scf.if %cond3A_28 {
      %dma_wait3A_66 = arith.constant 0 : i32
      %dma_wait3A_67 = arith.constant 0 : i32
      %dma_wait3A_68 = arith.constant 0 : i32
      %dma_wait3A_69 = tpu.memref_slice %arg7[%dma_wait3A_68] : memref<50176xf32, #tpu.memory_space<vmem_shared>> -> memref<25088xf32, #tpu.memory_space<vmem_shared>>
      %dma_wait3A_70 = arith.constant 50176 : i32
      %dma_wait3A_71 = tpu.memref_slice %arg3[%dma_wait3A_66, %dma_wait3A_67, %dma_wait3A_70] : memref<1x1x100096xf32, #tpu.memory_space<hbm>> -> memref<1x1x25088xf32, #tpu.memory_space<hbm>>
      %dma_wait3A_72 = tpu.memref_squeeze %dma_wait3A_71 : memref<1x1x25088xf32, #tpu.memory_space<hbm>> -> memref<25088xf32, #tpu.memory_space<hbm>>
      tpu.wait_dma2 semaphore(%arg10 : memref<!tpu.dma_semaphore, #tpu.memory_space<semaphore_mem>>) src(%dma_wait3A_72 : memref<25088xf32, #tpu.memory_space<hbm>>) dst(%dma_wait3A_69 : memref<25088xf32, #tpu.memory_space<vmem_shared>>)
    } else {
    }
    %barrier3A_29 = arith.constant 0 : index
    tpu.barrier barrier_id(%barrier3A_29)
    %eq3A_30 = arith.constant 0 : i32
    %eq3A_31 = arith.cmpi eq, %arg1, %eq3A_30 : i32
    %convert_element_type3A_32 = arith.extui %eq3A_31 : i1 to i32
    %cond3A_33 = arith.constant 0 : i32
    %cond3A_34 = arith.cmpi ne, %convert_element_type3A_32, %cond3A_33 : i32
    scf.if %cond3A_34 {
      %dma_start3A_66 = arith.constant 0 : i32
      %dma_start3A_67 = arith.constant 0 : i32
      %dma_start3A_68 = arith.constant 25088 : i32
      %dma_start3A_69 = tpu.memref_slice %arg7[%dma_start3A_68] : memref<50176xf32, #tpu.memory_space<vmem_shared>> -> memref<24832xf32, #tpu.memory_space<vmem_shared>>
      %dma_start3A_70 = arith.constant 75264 : i32
      %dma_start3A_71 = tpu.memref_slice %arg3[%dma_start3A_66, %dma_start3A_67, %dma_start3A_70] : memref<1x1x100096xf32, #tpu.memory_space<hbm>> -> memref<1x1x24832xf32, #tpu.memory_space<hbm>>
      %dma_start3A_72 = tpu.memref_squeeze %dma_start3A_71 : memref<1x1x24832xf32, #tpu.memory_space<hbm>> -> memref<24832xf32, #tpu.memory_space<hbm>>
      tpu.enqueue_dma source(%dma_start3A_72 : memref<24832xf32, #tpu.memory_space<hbm>>) target(%dma_start3A_69 : memref<24832xf32, #tpu.memory_space<vmem_shared>>) target_semaphore(%arg10 : memref<!tpu.dma_semaphore, #tpu.memory_space<semaphore_mem>>)
    } else {
    }
    "tpu.region"() ({
      %run_scoped3A = tpu.sem_alloc : memref<!tpu.dma_semaphore, #tpu.memory_space<semaphore_mem>>
      %dma_start3A_66 = arith.constant 50176 : i32
      %dma_start3A_67 = tpu.memref_slice %arg6[%dma_start3A_66] : memref<100096xf32, #tpu.memory_space<vmem>> -> memref<25088xf32, #tpu.memory_space<vmem>>
      %dma_start3A_68 = arith.constant 0 : i32
      %dma_start3A_69 = tpu.memref_slice %arg7[%dma_start3A_68] : memref<50176xf32, #tpu.memory_space<vmem_shared>> -> memref<25088xf32, #tpu.memory_space<vmem_shared>>
      %dma_start3A_70 = arith.constant 50176 : i32
      %dma_start3A_71 = tpu.memref_slice %arg6[%dma_start3A_70] : memref<100096xf32, #tpu.memory_space<vmem>> -> memref<25088xf32, #tpu.memory_space<vmem>>
      %dma_start3A_72 = arith.constant 0 : i32
      %dma_start3A_73 = tpu.memref_slice %arg7[%dma_start3A_72] : memref<50176xf32, #tpu.memory_space<vmem_shared>> -> memref<25088xf32, #tpu.memory_space<vmem_shared>>
      tpu.enqueue_dma source(%dma_start3A_73 : memref<25088xf32, #tpu.memory_space<vmem_shared>>) target(%dma_start3A_71 : memref<25088xf32, #tpu.memory_space<vmem>>) target_semaphore(%run_scoped3A : memref<!tpu.dma_semaphore, #tpu.memory_space<semaphore_mem>>)
      %dma_wait3A_74 = arith.constant 50176 : i32
      %dma_wait3A_75 = tpu.memref_slice %arg6[%dma_wait3A_74] : memref<100096xf32, #tpu.memory_space<vmem>> -> memref<25088xf32, #tpu.memory_space<vmem>>
      %dma_wait3A_76 = arith.constant 0 : i32
      %dma_wait3A_77 = tpu.memref_slice %arg7[%dma_wait3A_76] : memref<50176xf32, #tpu.memory_space<vmem_shared>> -> memref<25088xf32, #tpu.memory_space<vmem_shared>>
      %dma_wait3A_78 = arith.constant 50176 : i32
      %dma_wait3A_79 = tpu.memref_slice %arg6[%dma_wait3A_78] : memref<100096xf32, #tpu.memory_space<vmem>> -> memref<25088xf32, #tpu.memory_space<vmem>>
      %dma_wait3A_80 = arith.constant 0 : i32
      %dma_wait3A_81 = tpu.memref_slice %arg7[%dma_wait3A_80] : memref<50176xf32, #tpu.memory_space<vmem_shared>> -> memref<25088xf32, #tpu.memory_space<vmem_shared>>
      tpu.wait_dma2 semaphore(%run_scoped3A : memref<!tpu.dma_semaphore, #tpu.memory_space<semaphore_mem>>) src(%dma_wait3A_81 : memref<25088xf32, #tpu.memory_space<vmem_shared>>) dst(%dma_wait3A_79 : memref<25088xf32, #tpu.memory_space<vmem>>)
      tpu.yield
    }) : () -> ()
    %eq3A_35 = arith.constant 0 : i32
    %eq3A_36 = arith.cmpi eq, %arg1, %eq3A_35 : i32
    %convert_element_type3A_37 = arith.extui %eq3A_36 : i1 to i32
    %cond3A_38 = arith.constant 0 : i32
    %cond3A_39 = arith.cmpi ne, %convert_element_type3A_37, %cond3A_38 : i32
    scf.if %cond3A_39 {
      %dma_wait3A_66 = arith.constant 0 : i32
      %dma_wait3A_67 = arith.constant 0 : i32
      %dma_wait3A_68 = arith.constant 25088 : i32
      %dma_wait3A_69 = tpu.memref_slice %arg7[%dma_wait3A_68] : memref<50176xf32, #tpu.memory_space<vmem_shared>> -> memref<24832xf32, #tpu.memory_space<vmem_shared>>
      %dma_wait3A_70 = arith.constant 75264 : i32
      %dma_wait3A_71 = tpu.memref_slice %arg3[%dma_wait3A_66, %dma_wait3A_67, %dma_wait3A_70] : memref<1x1x100096xf32, #tpu.memory_space<hbm>> -> memref<1x1x24832xf32, #tpu.memory_space<hbm>>
      %dma_wait3A_72 = tpu.memref_squeeze %dma_wait3A_71 : memref<1x1x24832xf32, #tpu.memory_space<hbm>> -> memref<24832xf32, #tpu.memory_space<hbm>>
      tpu.wait_dma2 semaphore(%arg10 : memref<!tpu.dma_semaphore, #tpu.memory_space<semaphore_mem>>) src(%dma_wait3A_72 : memref<24832xf32, #tpu.memory_space<hbm>>) dst(%dma_wait3A_69 : memref<24832xf32, #tpu.memory_space<vmem_shared>>)
    } else {
    }
    %barrier3A_40 = arith.constant 0 : index
    tpu.barrier barrier_id(%barrier3A_40)
    "tpu.region"() ({
      %run_scoped3A = tpu.sem_alloc : memref<!tpu.dma_semaphore, #tpu.memory_space<semaphore_mem>>
      %dma_start3A_66 = arith.constant 75264 : i32
      %dma_start3A_67 = tpu.memref_slice %arg6[%dma_start3A_66] : memref<100096xf32, #tpu.memory_space<vmem>> -> memref<24832xf32, #tpu.memory_space<vmem>>
      %dma_start3A_68 = arith.constant 25088 : i32
      %dma_start3A_69 = tpu.memref_slice %arg7[%dma_start3A_68] : memref<50176xf32, #tpu.memory_space<vmem_shared>> -> memref<24832xf32, #tpu.memory_space<vmem_shared>>
      %dma_start3A_70 = arith.constant 75264 : i32
      %dma_start3A_71 = tpu.memref_slice %arg6[%dma_start3A_70] : memref<100096xf32, #tpu.memory_space<vmem>> -> memref<24832xf32, #tpu.memory_space<vmem>>
      %dma_start3A_72 = arith.constant 25088 : i32
      %dma_start3A_73 = tpu.memref_slice %arg7[%dma_start3A_72] : memref<50176xf32, #tpu.memory_space<vmem_shared>> -> memref<24832xf32, #tpu.memory_space<vmem_shared>>
      tpu.enqueue_dma source(%dma_start3A_73 : memref<24832xf32, #tpu.memory_space<vmem_shared>>) target(%dma_start3A_71 : memref<24832xf32, #tpu.memory_space<vmem>>) target_semaphore(%run_scoped3A : memref<!tpu.dma_semaphore, #tpu.memory_space<semaphore_mem>>)
      %dma_wait3A_74 = arith.constant 75264 : i32
      %dma_wait3A_75 = tpu.memref_slice %arg6[%dma_wait3A_74] : memref<100096xf32, #tpu.memory_space<vmem>> -> memref<24832xf32, #tpu.memory_space<vmem>>
      %dma_wait3A_76 = arith.constant 25088 : i32
      %dma_wait3A_77 = tpu.memref_slice %arg7[%dma_wait3A_76] : memref<50176xf32, #tpu.memory_space<vmem_shared>> -> memref<24832xf32, #tpu.memory_space<vmem_shared>>
      %dma_wait3A_78 = arith.constant 75264 : i32
      %dma_wait3A_79 = tpu.memref_slice %arg6[%dma_wait3A_78] : memref<100096xf32, #tpu.memory_space<vmem>> -> memref<24832xf32, #tpu.memory_space<vmem>>
      %dma_wait3A_80 = arith.constant 25088 : i32
      %dma_wait3A_81 = tpu.memref_slice %arg7[%dma_wait3A_80] : memref<50176xf32, #tpu.memory_space<vmem_shared>> -> memref<24832xf32, #tpu.memory_space<vmem_shared>>
      tpu.wait_dma2 semaphore(%run_scoped3A : memref<!tpu.dma_semaphore, #tpu.memory_space<semaphore_mem>>) src(%dma_wait3A_81 : memref<24832xf32, #tpu.memory_space<vmem_shared>>) dst(%dma_wait3A_79 : memref<24832xf32, #tpu.memory_space<vmem>>)
      tpu.yield
    }) : () -> ()
    %barrier3A_41 = arith.constant 0 : index
    tpu.barrier barrier_id(%barrier3A_41)
    %dma_wait3A = arith.constant 0 : i32
    %dma_wait3A_42 = tpu.memref_slice %arg2[%dma_wait3A, %mul3A_2] : memref<200x4096xi32, #tpu.memory_space<hbm>> -> memref<200x128xi32, #tpu.memory_space<hbm>>
    %dma_wait3A_43 = arith.constant 0 : i32
    %dma_wait3A_44 = tpu.memref_slice %arg2[%dma_wait3A_43, %mul3A_2] : memref<200x4096xi32, #tpu.memory_space<hbm>> -> memref<200x128xi32, #tpu.memory_space<hbm>>
    tpu.wait_dma2 semaphore(%arg9 : memref<!tpu.dma_semaphore, #tpu.memory_space<semaphore_mem>>) src(%dma_wait3A_44 : memref<200x128xi32, #tpu.memory_space<hbm>>) dst(%arg5 : memref<200x128xi32, #tpu.memory_space<vmem>>)
    %broadcast_in_dim3A = arith.constant 0.000000e+00 : f32
    "tpu.trace_stop"() : () -> ()
    %broadcast_in_dim3A_45 = vector.broadcast %broadcast_in_dim3A : f32 to vector<16xf32>
    "tpu.trace_start"() <{level = 10 : i32, message = "gather_loop"}> : () -> ()
    %scan3A = arith.constant 0 : i32
    %scan3A_46 = arith.constant 200 : i32
    %scan3A_47 = arith.addi %scan3A, %scan3A_46 : i32
    %scan3A_48 = arith.constant 1 : i32
    %scan3A_49:8 = scf.for %scan3A_66 = %scan3A to %scan3A_47 step %scan3A_48 iter_args(%scan3A_67 = %broadcast_in_dim3A_45, %scan3A_68 = %broadcast_in_dim3A_45, %scan3A_69 = %broadcast_in_dim3A_45, %scan3A_70 = %broadcast_in_dim3A_45, %scan3A_71 = %broadcast_in_dim3A_45, %scan3A_72 = %broadcast_in_dim3A_45, %scan3A_73 = %broadcast_in_dim3A_45, %scan3A_74 = %broadcast_in_dim3A_45) -> (vector<16xf32>, vector<16xf32>, vector<16xf32>, vector<16xf32>, vector<16xf32>, vector<16xf32>, vector<16xf32>, vector<16xf32>)  : i32 {
      %get3A = arith.index_cast %scan3A_66 : i32 to index
      %get3A_75 = arith.constant 0 : index
      %get3A_76 = tpu.vector_load %arg5[%get3A, %get3A_75] {strides = array<i32>} : memref<200x128xi32, #tpu.memory_space<vmem>>, vector<16xi32>,
      %gather3A = tpu.vector_load_idx %arg6[%get3A_76] : memref<100096xf32, #tpu.memory_space<vmem>>[vector<16xi32>], vector<16xf32>,
      %add3A_77 = arith.addf %scan3A_67, %gather3A : vector<16xf32>
      %get3A_78 = arith.index_cast %scan3A_66 : i32 to index
      %get3A_79 = arith.constant 16 : index
      %get3A_80 = tpu.vector_load %arg5[%get3A_78, %get3A_79] {strides = array<i32>} : memref<200x128xi32, #tpu.memory_space<vmem>>, vector<16xi32>,
      %gather3A_81 = tpu.vector_load_idx %arg6[%get3A_80] : memref<100096xf32, #tpu.memory_space<vmem>>[vector<16xi32>], vector<16xf32>,
      %add3A_82 = arith.addf %scan3A_68, %gather3A_81 : vector<16xf32>
      %get3A_83 = arith.index_cast %scan3A_66 : i32 to index
      %get3A_84 = arith.constant 32 : index
      %get3A_85 = tpu.vector_load %arg5[%get3A_83, %get3A_84] {strides = array<i32>} : memref<200x128xi32, #tpu.memory_space<vmem>>, vector<16xi32>,
      %gather3A_86 = tpu.vector_load_idx %arg6[%get3A_85] : memref<100096xf32, #tpu.memory_space<vmem>>[vector<16xi32>], vector<16xf32>,
      %add3A_87 = arith.addf %scan3A_69, %gather3A_86 : vector<16xf32>
      %get3A_88 = arith.index_cast %scan3A_66 : i32 to index
      %get3A_89 = arith.constant 48 : index
      %get3A_90 = tpu.vector_load %arg5[%get3A_88, %get3A_89] {strides = array<i32>} : memref<200x128xi32, #tpu.memory_space<vmem>>, vector<16xi32>,
      %gather3A_91 = tpu.vector_load_idx %arg6[%get3A_90] : memref<100096xf32, #tpu.memory_space<vmem>>[vector<16xi32>], vector<16xf32>,
      %add3A_92 = arith.addf %scan3A_70, %gather3A_91 : vector<16xf32>
      %get3A_93 = arith.index_cast %scan3A_66 : i32 to index
      %get3A_94 = arith.constant 64 : index
      %get3A_95 = tpu.vector_load %arg5[%get3A_93, %get3A_94] {strides = array<i32>} : memref<200x128xi32, #tpu.memory_space<vmem>>, vector<16xi32>,
      %gather3A_96 = tpu.vector_load_idx %arg6[%get3A_95] : memref<100096xf32, #tpu.memory_space<vmem>>[vector<16xi32>], vector<16xf32>,
      %add3A_97 = arith.addf %scan3A_71, %gather3A_96 : vector<16xf32>
      %get3A_98 = arith.index_cast %scan3A_66 : i32 to index
      %get3A_99 = arith.constant 80 : index
      %get3A_100 = tpu.vector_load %arg5[%get3A_98, %get3A_99] {strides = array<i32>} : memref<200x128xi32, #tpu.memory_space<vmem>>, vector<16xi32>,
      %gather3A_101 = tpu.vector_load_idx %arg6[%get3A_100] : memref<100096xf32, #tpu.memory_space<vmem>>[vector<16xi32>], vector<16xf32>,
      %add3A_102 = arith.addf %scan3A_72, %gather3A_101 : vector<16xf32>
      %get3A_103 = arith.index_cast %scan3A_66 : i32 to index
      %get3A_104 = arith.constant 96 : index
      %get3A_105 = tpu.vector_load %arg5[%get3A_103, %get3A_104] {strides = array<i32>} : memref<200x128xi32, #tpu.memory_space<vmem>>, vector<16xi32>,
      %gather3A_106 = tpu.vector_load_idx %arg6[%get3A_105] : memref<100096xf32, #tpu.memory_space<vmem>>[vector<16xi32>], vector<16xf32>,
      %add3A_107 = arith.addf %scan3A_73, %gather3A_106 : vector<16xf32>
      %get3A_108 = arith.index_cast %scan3A_66 : i32 to index
      %get3A_109 = arith.constant 112 : index
      %get3A_110 = tpu.vector_load %arg5[%get3A_108, %get3A_109] {strides = array<i32>} : memref<200x128xi32, #tpu.memory_space<vmem>>, vector<16xi32>,
      %gather3A_111 = tpu.vector_load_idx %arg6[%get3A_110] : memref<100096xf32, #tpu.memory_space<vmem>>[vector<16xi32>], vector<16xf32>,
      %add3A_112 = arith.addf %scan3A_74, %gather3A_111 : vector<16xf32>
      scf.yield %add3A_77, %add3A_82, %add3A_87, %add3A_92, %add3A_97, %add3A_102, %add3A_107, %add3A_112 : vector<16xf32>, vector<16xf32>, vector<16xf32>, vector<16xf32>, vector<16xf32>, vector<16xf32>, vector<16xf32>, vector<16xf32>
    }
    %scan3A_50 = arith.constant 200 : i32
    "tpu.trace_stop"() : () -> ()
    "tpu.trace_start"() <{level = 10 : i32, message = "writeback"}> : () -> ()
    %swap3A = arith.constant 0 : index
    %swap3A_51 = tpu.vector_load %arg8[%swap3A] {strides = array<i32>} : memref<128xf32, #tpu.memory_space<vmem>>, vector<16xf32>,
    tpu.vector_store %arg8[%swap3A], %scan3A_49#0 {strides = array<i32>} : memref<128xf32, #tpu.memory_space<vmem>>, vector<16xf32>,
    %swap3A_52 = arith.constant 16 : index
    %swap3A_53 = tpu.vector_load %arg8[%swap3A_52] {strides = array<i32>} : memref<128xf32, #tpu.memory_space<vmem>>, vector<16xf32>,
    tpu.vector_store %arg8[%swap3A_52], %scan3A_49#1 {strides = array<i32>} : memref<128xf32, #tpu.memory_space<vmem>>, vector<16xf32>,
    %swap3A_54 = arith.constant 32 : index
    %swap3A_55 = tpu.vector_load %arg8[%swap3A_54] {strides = array<i32>} : memref<128xf32, #tpu.memory_space<vmem>>, vector<16xf32>,
    tpu.vector_store %arg8[%swap3A_54], %scan3A_49#2 {strides = array<i32>} : memref<128xf32, #tpu.memory_space<vmem>>, vector<16xf32>,
    %swap3A_56 = arith.constant 48 : index
    %swap3A_57 = tpu.vector_load %arg8[%swap3A_56] {strides = array<i32>} : memref<128xf32, #tpu.memory_space<vmem>>, vector<16xf32>,
    tpu.vector_store %arg8[%swap3A_56], %scan3A_49#3 {strides = array<i32>} : memref<128xf32, #tpu.memory_space<vmem>>, vector<16xf32>,
    %swap3A_58 = arith.constant 64 : index
    %swap3A_59 = tpu.vector_load %arg8[%swap3A_58] {strides = array<i32>} : memref<128xf32, #tpu.memory_space<vmem>>, vector<16xf32>,
    tpu.vector_store %arg8[%swap3A_58], %scan3A_49#4 {strides = array<i32>} : memref<128xf32, #tpu.memory_space<vmem>>, vector<16xf32>,
    %swap3A_60 = arith.constant 80 : index
    %swap3A_61 = tpu.vector_load %arg8[%swap3A_60] {strides = array<i32>} : memref<128xf32, #tpu.memory_space<vmem>>, vector<16xf32>,
    tpu.vector_store %arg8[%swap3A_60], %scan3A_49#5 {strides = array<i32>} : memref<128xf32, #tpu.memory_space<vmem>>, vector<16xf32>,
    %swap3A_62 = arith.constant 96 : index
    %swap3A_63 = tpu.vector_load %arg8[%swap3A_62] {strides = array<i32>} : memref<128xf32, #tpu.memory_space<vmem>>, vector<16xf32>,
    tpu.vector_store %arg8[%swap3A_62], %scan3A_49#6 {strides = array<i32>} : memref<128xf32, #tpu.memory_space<vmem>>, vector<16xf32>,
    %swap3A_64 = arith.constant 112 : index
    %swap3A_65 = tpu.vector_load %arg8[%swap3A_64] {strides = array<i32>} : memref<128xf32, #tpu.memory_space<vmem>>, vector<16xf32>,
    tpu.vector_store %arg8[%swap3A_64], %scan3A_49#7 {strides = array<i32>} : memref<128xf32, #tpu.memory_space<vmem>>, vector<16xf32>,
    "tpu.region"() ({
      %run_scoped3A = tpu.sem_alloc : memref<!tpu.dma_semaphore, #tpu.memory_space<semaphore_mem>>
      %dma_start3A_66 = tpu.memref_slice %arg4[%mul3A_2] : memref<4096xf32, #tpu.memory_space<hbm>> -> memref<128xf32, #tpu.memory_space<hbm>>
      %dma_start3A_67 = tpu.memref_slice %arg4[%mul3A_2] : memref<4096xf32, #tpu.memory_space<hbm>> -> memref<128xf32, #tpu.memory_space<hbm>>
      tpu.enqueue_dma source(%arg8 : memref<128xf32, #tpu.memory_space<vmem>>) target(%dma_start3A_67 : memref<128xf32, #tpu.memory_space<hbm>>) target_semaphore(%run_scoped3A : memref<!tpu.dma_semaphore, #tpu.memory_space<semaphore_mem>>)
      %dma_wait3A_68 = tpu.memref_slice %arg4[%mul3A_2] : memref<4096xf32, #tpu.memory_space<hbm>> -> memref<128xf32, #tpu.memory_space<hbm>>
      %dma_wait3A_69 = tpu.memref_slice %arg4[%mul3A_2] : memref<4096xf32, #tpu.memory_space<hbm>> -> memref<128xf32, #tpu.memory_space<hbm>>
      tpu.wait_dma2 semaphore(%run_scoped3A : memref<!tpu.dma_semaphore, #tpu.memory_space<semaphore_mem>>) src(%arg8 : memref<128xf32, #tpu.memory_space<vmem>>) dst(%dma_wait3A_69 : memref<128xf32, #tpu.memory_space<hbm>>)
      tpu.yield
    }) : () -> ()
    "tpu.trace_stop"() : () -> ()
    return
  }
}

module attributes {stable_mosaic.version = 14 : i64} {
  func.func @_table_proj_body(%arg0: i32, %arg1: memref<1x20000x128xf32, #tpu.memory_space<vmem>>, %arg2: memref<1x128xf32, #tpu.memory_space<vmem>>, %arg3: memref<1xf32, #tpu.memory_space<smem>>, %arg4: memref<1x1x100096xf32, #tpu.memory_space<vmem>>) attributes {dimension_semantics = [#tpu.dimension_semantics<arbitrary>], iteration_bounds = array<i64: 5>, scalar_prefetch = 0 : i64, scratch_operands = 0 : i64, tpu.core_type = #tpu.core_type<tc>, window_params = [{transform_indices = @transform_0, window_bounds = array<i64: 1, 20000, 128>}, {pipeline_mode = #tpu.pipeline_mode<synchronous>, transform_indices = @transform_1, window_bounds = array<i64: 1, 128>}, {transform_indices = @transform_2, window_bounds = array<i64: 1>}, {pipeline_mode = #tpu.pipeline_mode<synchronous>, transform_indices = @transform_3, window_bounds = array<i64: 1, 1, 100096>}]} {
    %get3A = arith.constant 0 : index
    %get3A_0 = arith.constant 0 : index
    %get3A_1 = arith.constant 0 : index
    %get3A_2 = vector.load %arg1[%get3A, %get3A_0, %get3A_1] : memref<1x20000x128xf32, #tpu.memory_space<vmem>>, vector<1x20000x128xf32>
    %get3A_3 = vector.shape_cast %get3A_2 : vector<1x20000x128xf32> to vector<20000x128xf32>
    %get3A_4 = arith.constant 0 : index
    %get3A_5 = arith.constant 0 : index
    %get3A_6 = vector.load %arg2[%get3A_4, %get3A_5] : memref<1x128xf32, #tpu.memory_space<vmem>>, vector<1x128xf32>
    %dot_general3A = arith.constant dense<0.000000e+00> : vector<1x20000xf32>
    %dot_general3A_7 = tpu.matmul %get3A_6, %get3A_3, %dot_general3A {dimension_numbers = #tpu.dot_dimension_numbers<[1], [1], [0], [0], [0, 0, 1, 0], [], []>, transpose_lhs_hint = false} : vector<1x128xf32>, vector<20000x128xf32>, vector<1x20000xf32> -> vector<1x20000xf32>
    %get3A_8 = arith.constant 0 : index
    %get3A_9 = memref.load %arg3[%get3A_8] : memref<1xf32, #tpu.memory_space<smem>>
    %add3A = vector.broadcast %get3A_9 : f32 to vector<1x20000xf32>
    %add3A_10 = arith.addf %dot_general3A_7, %add3A : vector<1x20000xf32>
    %mul3A = arith.constant 5.000000e-03 : f32
    %mul3A_11 = vector.broadcast %mul3A : f32 to vector<1x20000xf32>
    %mul3A_12 = arith.mulf %add3A_10, %mul3A_11 : vector<1x20000xf32>
    %eq3A = arith.constant 0 : i32
    %eq3A_13 = arith.cmpi eq, %arg0, %eq3A : i32
    %convert_element_type3A = arith.extui %eq3A_13 : i1 to i32
    %cond3A = arith.constant 0 : i32
    %cond3A_14 = arith.cmpi ne, %convert_element_type3A, %cond3A : i32
    scf.if %cond3A_14 {
      %swap3A = arith.constant 0 : index
      %swap3A_35 = arith.constant 0 : index
      %swap3A_36 = arith.constant 0 : index
      %swap3A_37 = vector.load %arg4[%swap3A, %swap3A_35, %swap3A_36] : memref<1x1x100096xf32, #tpu.memory_space<vmem>>, vector<1x1x20000xf32>
      %swap3A_38 = vector.shape_cast %swap3A_37 : vector<1x1x20000xf32> to vector<1x20000xf32>
      %swap3A_39 = vector.shape_cast %mul3A_12 : vector<1x20000xf32> to vector<1x1x20000xf32>
      tpu.vector_store %arg4[%swap3A, %swap3A_35, %swap3A_36], %swap3A_39 {strides = array<i32>} : memref<1x1x100096xf32, #tpu.memory_space<vmem>>, vector<1x1x20000xf32>,
    } else {
    }
    %eq3A_15 = arith.constant 1 : i32
    %eq3A_16 = arith.cmpi eq, %arg0, %eq3A_15 : i32
    %convert_element_type3A_17 = arith.extui %eq3A_16 : i1 to i32
    %cond3A_18 = arith.constant 0 : i32
    %cond3A_19 = arith.cmpi ne, %convert_element_type3A_17, %cond3A_18 : i32
    scf.if %cond3A_19 {
      %swap3A = arith.constant 0 : index
      %swap3A_35 = arith.constant 0 : index
      %swap3A_36 = arith.constant 20000 : index
      %swap3A_37 = vector.load %arg4[%swap3A, %swap3A_35, %swap3A_36] : memref<1x1x100096xf32, #tpu.memory_space<vmem>>, vector<1x1x20000xf32>
      %swap3A_38 = vector.shape_cast %swap3A_37 : vector<1x1x20000xf32> to vector<1x20000xf32>
      %swap3A_39 = vector.shape_cast %mul3A_12 : vector<1x20000xf32> to vector<1x1x20000xf32>
      tpu.vector_store %arg4[%swap3A, %swap3A_35, %swap3A_36], %swap3A_39 {strides = array<i32>} : memref<1x1x100096xf32, #tpu.memory_space<vmem>>, vector<1x1x20000xf32>,
    } else {
    }
    %eq3A_20 = arith.constant 2 : i32
    %eq3A_21 = arith.cmpi eq, %arg0, %eq3A_20 : i32
    %convert_element_type3A_22 = arith.extui %eq3A_21 : i1 to i32
    %cond3A_23 = arith.constant 0 : i32
    %cond3A_24 = arith.cmpi ne, %convert_element_type3A_22, %cond3A_23 : i32
    scf.if %cond3A_24 {
      %swap3A = arith.constant 0 : index
      %swap3A_35 = arith.constant 0 : index
      %swap3A_36 = arith.constant 40000 : index
      %swap3A_37 = vector.load %arg4[%swap3A, %swap3A_35, %swap3A_36] : memref<1x1x100096xf32, #tpu.memory_space<vmem>>, vector<1x1x20000xf32>
      %swap3A_38 = vector.shape_cast %swap3A_37 : vector<1x1x20000xf32> to vector<1x20000xf32>
      %swap3A_39 = vector.shape_cast %mul3A_12 : vector<1x20000xf32> to vector<1x1x20000xf32>
      tpu.vector_store %arg4[%swap3A, %swap3A_35, %swap3A_36], %swap3A_39 {strides = array<i32>} : memref<1x1x100096xf32, #tpu.memory_space<vmem>>, vector<1x1x20000xf32>,
    } else {
    }
    %eq3A_25 = arith.constant 3 : i32
    %eq3A_26 = arith.cmpi eq, %arg0, %eq3A_25 : i32
    %convert_element_type3A_27 = arith.extui %eq3A_26 : i1 to i32
    %cond3A_28 = arith.constant 0 : i32
    %cond3A_29 = arith.cmpi ne, %convert_element_type3A_27, %cond3A_28 : i32
    scf.if %cond3A_29 {
      %swap3A = arith.constant 0 : index
      %swap3A_35 = arith.constant 0 : index
      %swap3A_36 = arith.constant 60000 : index
      %swap3A_37 = vector.load %arg4[%swap3A, %swap3A_35, %swap3A_36] : memref<1x1x100096xf32, #tpu.memory_space<vmem>>, vector<1x1x20000xf32>
      %swap3A_38 = vector.shape_cast %swap3A_37 : vector<1x1x20000xf32> to vector<1x20000xf32>
      %swap3A_39 = vector.shape_cast %mul3A_12 : vector<1x20000xf32> to vector<1x1x20000xf32>
      tpu.vector_store %arg4[%swap3A, %swap3A_35, %swap3A_36], %swap3A_39 {strides = array<i32>} : memref<1x1x100096xf32, #tpu.memory_space<vmem>>, vector<1x1x20000xf32>,
    } else {
    }
    %eq3A_30 = arith.constant 4 : i32
    %eq3A_31 = arith.cmpi eq, %arg0, %eq3A_30 : i32
    %convert_element_type3A_32 = arith.extui %eq3A_31 : i1 to i32
    %cond3A_33 = arith.constant 0 : i32
    %cond3A_34 = arith.cmpi ne, %convert_element_type3A_32, %cond3A_33 : i32
    scf.if %cond3A_34 {
      %swap3A = arith.constant 0 : index
      %swap3A_35 = arith.constant 0 : index
      %swap3A_36 = arith.constant 80000 : index
      %swap3A_37 = vector.load %arg4[%swap3A, %swap3A_35, %swap3A_36] : memref<1x1x100096xf32, #tpu.memory_space<vmem>>, vector<1x1x20000xf32>
      %swap3A_38 = vector.shape_cast %swap3A_37 : vector<1x1x20000xf32> to vector<1x20000xf32>
      %swap3A_39 = vector.shape_cast %mul3A_12 : vector<1x20000xf32> to vector<1x1x20000xf32>
      tpu.vector_store %arg4[%swap3A, %swap3A_35, %swap3A_36], %swap3A_39 {strides = array<i32>} : memref<1x1x100096xf32, #tpu.memory_space<vmem>>, vector<1x1x20000xf32>,
    } else {
    }
    return
  }
  func.func @transform_0(%arg0: i32) -> (i32, i32, i32) {
    %c0_i32 = arith.constant 0 : i32
    %c0_i32_0 = arith.constant 0 : i32
    %c0_i32_1 = arith.constant 0 : i32
    return %arg0, %c0_i32, %c0_i32_0 : i32, i32, i32
  }
  func.func @transform_1(%arg0: i32) -> (i32, i32) {
    %c0_i32 = arith.constant 0 : i32
    %c0_i32_0 = arith.constant 0 : i32
    %c0_i32_1 = arith.constant 0 : i32
    return %c0_i32, %c0_i32_0 : i32, i32
  }
  func.func @transform_2(%arg0: i32) -> i32 {
    %c0_i32 = arith.constant 0 : i32
    %c0_i32_0 = arith.constant 0 : i32
    return %c0_i32 : i32
  }
  func.func @transform_3(%arg0: i32) -> (i32, i32, i32) {
    %c0_i32 = arith.constant 0 : i32
    %c0_i32_0 = arith.constant 0 : i32
    %c0_i32_1 = arith.constant 0 : i32
    %c0_i32_2 = arith.constant 0 : i32
    return %c0_i32, %c0_i32_0, %c0_i32_1 : i32, i32, i32
  }
}

</mosaic_0001>

<sc_bundles>
// kernel: kernel.4.cloned.1.call-start
scs
__scs_entry_jumppad:
0x0: {  	(pc) =	sbr.rel $0x88, $3  }
0x1: {  	(tag) =	ssettag $0x0;
	lr =	simm.s32 $0x1  }
0x2: {  	[smem:$0x3F9D] =	sst lr;
	_ =	strace $0xD0000000  }
0x3: {  	_ = 	snop  }
0x4: {  	_ = 	snop  }
0x5: {  	_ = 	snop  }
0x6: {  	_ = 	snop  }
0x7: {  	_ = 	snop  }
__scs_overlays_trampoline_lowered:
0x8: {  	[smem:$0x3FAC] =	sst s0  }
0x9: {  	[smem:$0x3FAD] =	sst s1  }
0xa: {  	[smem:$0x3FAE] =	sst s2  }
0xb: {  	[smem:$0x3FAF] =	sst s3  }
0xc: {  	[smem:$0x3FB0] =	sst s4  }
0xd: {  	[smem:$0x3FB1] =	sst s5  }
0xe: {  	[smem:$0x3FB2] =	sst s6  }
0xf: {  	[smem:$0x3FB3] =	sst s7  }
0x10: {  	[smem:$0x3FB4] =	sst s8  }
0x11: {  	[smem:$0x3FB5] =	sst s9;
	s0 =	simm.s32 @!p0 $0x0  }
0x12: {  	s1 =	sld [smem:$0x3F9B];
	s0 =	simm.s32 @p0 $0x1  }
0x13: {  	[smem:$0x3FB6] =	sst s0;
	s0 =	simm.s32 @!p1 $0x0  }
0x14: {  	s2 =	sld [smem:$0x3F9A];
	s0 =	simm.s32 @p1 $0x1  }
0x15: {  	[smem:$0x3FB7] =	sst s0;
	s0 =	simm.s32 @!p2 $0x0  }
0x16: {  	s3 =	sld [smem:$0x3FDB];
	s0 =	simm.s32 @p2 $0x1  }
0x17: {  	s4 =	simm.s32 $0x1BF5;
	[smem:$0x3FB9] =	sst s0  }
0x18: {  	s0 =	sld [smem:$0x3F9C];
	_ =	swait.ge [sflag:s4], $0x0  }
0x19: {  	s7 =	sld [smem:$0x3F9D]  }
0x1a: {  	s8 =	sadd.s32 $0xFFFFE003, lr  }
0x1b: {  	s9 =	sadd.s32 $0xFFFFFEF7, lr;
	s5 =	simm.s32 $0xFFFFFFFF;
	p2 =	slt.u32 s8, $0xFFFFF086  }
0x1c: {  	p1 =	slt.u32 s9, $0xF7A;
	s5 =	simm.s32 @!p2 $0x0  }
0x1d: {  	s5 =	simm.s32 @p1 $0x1;
	p0 =	seq.s32 s7, s2  }
0x1e: {  	s7 =	smul.u32 @!p0 $0xF7A, s2;
	p2 =	seq.s32 @!p0 s5, $0x0  }
0x1f: {  	s9 =	smul.u32 $0xF7A, s1;
	s8 =	simm.s32 @!p0 $0x1BF5;
	p2 =	por !p2, p0  }
0x20: {  	[sflag:s8] =	ssyncset.s32 @!p0 $0xFFFFF086;
	s6 =	sadd.s32 @!p0 s3, s7;
	s7 =	simm.s32 @!p0 $0x108  }
0x21: {  	s3 =	sadd.s32 s3, s9;
	s6 =	sadd.s32 @!p0 $0x88, s6;
	s7 =	simm.s32 @p2 $0x1082  }
0x22: {  	[simem:s7], [sflag:s8] =	dma.local @!p0 [hbm:s6], $0xF7A  }
0x23: {  	s9 =	sor.u32 $0xD0000000, s2;
	s6 =	simm.s32 $0x108;
	_ =	swait.ge @!p0 [sflag:s8], $0x0  }
0x24: {  	s3 =	sadd.s32 $0x88, s3;
	s6 =	simm.s32 @!p1 $0x1082;
	[sflag:s4] =	ssyncset.s32 $0xFFFFF086  }
0x25: {  	[simem:s6], [sflag:s4] =	dma.local [hbm:s3], $0xF7A  }
0x26: {  	[smem:$0x3F9D] =	sst s1;
	(tag) =	ssettag s2;
	_ =	strace s9  }
0x27: {  	s1 =	sld [smem:$0x3FAD]  }
0x28: {  	s2 =	sld [smem:$0x3FAE]  }
0x29: {  	s4 =	sld [smem:$0x3FB0]  }
0x2a: {  	p0 =	seq.s32 s5, $0x0;
	s5 =	sld [smem:$0x3FB1]  }
0x2b: {  	s6 =	sld [smem:$0x3FB2]  }
0x2c: {  	s7 =	sld [smem:$0x3FB3]  }
0x2d: {  	s3 =	simm.s32 $0x108;
	s8 =	sld [smem:$0x3FB4]  }
0x2e: {  	s3 =	simm.s32 @!p0 $0x1082;
	s9 =	sld [smem:$0x3FB5]  }
0x2f: {  	lr =	sadd.s32 s0, s3;
	s0 =	sld [smem:$0x3FAC]  }
0x30: {  	s3 =	sld [smem:$0x3FAF]  }
0x31: {  	[smem:$0x3FB8] =	sst s10  }
0x32: {  	s10 =	sld [smem:$0x3FB6];
	_ =	sdelay $0x3  }
0x33: {  	p0 =	seq.s32 s10, $0x1;
	s10 =	sld [smem:$0x3FB8];
	_ =	sdelay $0x3  }
0x34: {  	[smem:$0x3FB8] =	sst s10  }
0x35: {  	s10 =	sld [smem:$0x3FB7];
	_ =	sdelay $0x3  }
0x36: {  	p1 =	seq.s32 s10, $0x1;
	s10 =	sld [smem:$0x3FB8];
	_ =	sdelay $0x3  }
0x37: {  	[smem:$0x3FB8] =	sst s10  }
0x38: {  	s10 =	sld [smem:$0x3FB9]  }
0x39: {  	_ = 	snop;
	(pc) =	sbr.ind lr, $3  }
0x3a: {  	_ = 	snop  }
0x3b: {  	_ = 	snop  }
0x3c: {  	p2 =	seq.s32 s10, $0x1;
	s10 =	sld [smem:$0x3FB8]  }
0x3d: {  	_ =	shalt  }
0x3e: {  	_ =	shalt  }
0x3f: {  	_ =	shalt  }
0x40: {  	_ =	shalt  }
0x41: {  	_ =	shalt  }
0x42: {  	_ =	shalt  }
0x43: {  	_ =	shalt  }
0x44: {  	_ =	shalt  }
0x45: {  	_ =	shalt  }
0x46: {  	_ =	shalt  }
0x47: {  	_ =	shalt  }
0x48: {  	_ =	shalt  }
0x49: {  	_ =	shalt  }
0x4a: {  	_ =	shalt  }
0x4b: {  	_ =	shalt  }
0x4c: {  	_ =	shalt  }
0x4d: {  	_ =	shalt  }
0x4e: {  	_ =	shalt  }
0x4f: {  	_ =	shalt  }
0x50: {  	_ =	shalt  }
0x51: {  	_ =	shalt  }
0x52: {  	_ =	shalt  }
0x53: {  	_ =	shalt  }
0x54: {  	_ =	shalt  }
0x55: {  	_ =	shalt  }
0x56: {  	_ =	shalt  }
0x57: {  	_ =	shalt  }
0x58: {  	_ =	shalt  }
0x59: {  	_ =	shalt  }
0x5a: {  	_ =	shalt  }
0x5b: {  	_ =	shalt  }
0x5c: {  	_ =	shalt  }
0x5d: {  	_ =	shalt  }
0x5e: {  	_ =	shalt  }
0x5f: {  	_ =	shalt  }
0x60: {  	_ =	shalt  }
0x61: {  	_ =	shalt  }
0x62: {  	_ =	shalt  }
0x63: {  	_ =	shalt  }
0x64: {  	_ =	shalt  }
0x65: {  	_ =	shalt  }
0x66: {  	_ =	shalt  }
0x67: {  	_ =	shalt  }
0x68: {  	_ =	shalt  }
0x69: {  	_ =	shalt  }
0x6a: {  	_ =	shalt  }
0x6b: {  	_ =	shalt  }
0x6c: {  	_ =	shalt  }
0x6d: {  	_ =	shalt  }
0x6e: {  	_ =	shalt  }
0x6f: {  	_ =	shalt  }
0x70: {  	_ =	shalt  }
0x71: {  	_ =	shalt  }
0x72: {  	_ =	shalt  }
0x73: {  	_ =	shalt  }
0x74: {  	_ =	shalt  }
0x75: {  	_ =	shalt  }
0x76: {  	_ =	shalt  }
0x77: {  	_ =	shalt  }
0x78: {  	_ =	shalt  }
0x79: {  	_ =	shalt  }
0x7a: {  	_ =	shalt  }
0x7b: {  	_ =	shalt  }
0x7c: {  	_ =	shalt  }
0x7d: {  	_ =	shalt  }
0x7e: {  	_ =	shalt  }
0x7f: {  	_ =	shalt  }
0x80: {  	_ =	shalt  }
0x81: {  	_ =	shalt  }
0x82: {  	_ =	shalt  }
0x83: {  	_ =	shalt  }
0x84: {  	_ =	shalt  }
0x85: {  	_ =	shalt  }
0x86: {  	_ =	shalt  }
0x87: {  	_ =	shalt  }
.Lfunc_end0:
.L_simem_size_0:
called_computation_lowered:
.L_overlay_start_0:
0x88: {  	s2 =	sld [smem:$0x3FD9]  }
0x89: {  	s3 =	sld [smem:$0x3FFE];
	_ =	sdelay $0x1  }
0x8a: {  	s1 =	srdreg.scid  }
0x8b: {  	s0 =	sand.u32 $0x1, s1  }
0x8c: {  	s17 =	sshll.u32 s0, $0xA;
	s2 =	sadd.s32 s3, s2  }
0x8d: {  	s2 =	sadd.s32 s2, s17  }
0x8e: {  	[smem:$0x3FC4] =	sst s2  }
0x8f: {  	_ = 	snop  }
0x90: {  	s2 =	sld [smem:$0x3FC9]  }
0x91: {  	s18 =	sld [smem:$0x3FD0];
	(tm) =	ssettm $0x1  }
0x92: {  	s4 =	sld [smem:$0x3FFB];
	_ =	sdelay $0x3  }
0x93: {  	_ =	strace s4  }
0x94: {  	s4 =	sld [smem:$0x3FFC];
	_ =	sdelay $0x3  }
0x95: {  	_ =	strace s4  }
0x96: {  	s4 =	sld [smem:$0x3FFD];
	_ =	sdelay $0x3  }
0x97: {  	_ =	strace s4  }
0x98: {  	_ =	strace $0x8FFFFFFF  }
0x99: {  	s19 =	sld [smem:$0x3FDB];
	_ =	sdelay $0x1  }
0x9a: {  	s5 =	simm.s32 $_scs_section_size  }
0x9b: {  	s6 =	simm.s32 $_size__tile_overlayer_lowered;
	s7 =	simm.s32 $_tile_overlayer_lowered  }
0x9c: {  	s22 =	simm.s32 $0x1BFF;
	s21 =	sshll.u32 s7, $0x1;
	s4 =	sadd.s32 s5, s19  }
0x9d: {  	s8 =	simm.s32 $0x0;
	s20 =	sshll.u32 s6, $0x1;
	s6 =	sadd.s32 s21, s4  }
0x9e: {  	[timem:s8], [sflag:s22] =	dma.local [hbm:s6], s20  }
0x9f: {  	_ =	swait.ge [sflag:s22], s20  }
0xa0: {  	s5 =	ssub.s32 $0x0, s20;
	[sflag:s22] =	ssyncset.done $0x0  }
0xa1: {  	[sflag:s22] =	ssyncadd.s32 s5;
	_ =	sdelay $0x1  }
0xa2: {  	s23 =	simm.s32 $0x1B8B  }
0xa3: {  	_ =	swait.ge [sflag:s23], $0x1  }
0xa4: {  	[sflag:s23] =	ssyncset.done $0x0  }
0xa5: {  	s25 =	simm.s32 $0x1B8E;
	s24 =	sld [smem:$0x3FFE];
	[sflag:s23] =	ssyncadd.s32 $0xFFFFFFFF  }
0xa6: {  	s26 =	simm.s32 $execute0_lowered;
	[smem:$0x3FD2] =	sst s25  }
0xa7: {  	s6 =	sshll.u32 s26, $0x1;
	_ =	strace $0x80000046;
	[dreg:$0x1] =	wrdreg $0xFFFFFFFF  }
0xa8: {  	s28 =	simm.s32 $_size_execute0_lowered;
	s4 =	sadd.s32 s4, s6;
	[dreg:$0x0] =	wrdreg $0x0  }
0xa9: {  	s6 =	sshll.u32 s28, $0x1;
	[dreg:$0x2] =	wrdreg s4  }
0xaa: {  	[dreg:$0x3] =	wrdreg s6  }
0xab: {  	[dreg:$0x4] =	wrdreg $0xC0  }
0xac: {  	_ =	task [dreg:s8], $0x5FFFF  }
0xad: {  	[dreg:$0x1] =	wrdreg $0xFFFFFFFF  }
0xae: {  	[dreg:$0x0] =	wrdreg $0x60  }
0xaf: {  	[dreg:$0x2] =	wrdreg s2  }
0xb0: {  	[dreg:$0x3] =	wrdreg s24  }
0xb1: {  	[dreg:$0x4] =	wrdreg s18  }
0xb2: {  	[dreg:$0x5] =	wrdreg $0x1EB000  }
0xb3: {  	[dreg:$0x6] =	wrdreg $0x9  }
0xb4: {  	_ =	task.clear_ibuf [dreg:s8], $0x7FFFF;
	_ =	strace $0x90000046  }
0xb5: {  	s29 =	simm.s32 $0x9;
	_ =	strace $0x8000004C  }
0xb6: {  	_ =	swait.ge [sflag:s29], $0x1  }
0xb7: {  	[sflag:s29] =	ssyncadd.s32 $0xFFFFFFFF  }
0xb8: {  	_ =	strace $0x9000004C  }
0xb9: {  	_ =	sfence  }
0xba: {  	s30 =	sld [smem:$0x0];
	_ =	sdelay $0x2  }
0xbb: {  	s31 =	sshll.u32 s1, $0xD;
	s1 =	sshrl.u32 s1, $0x2  }
0xbc: {  	s3 =	sand.u32 $0x4000, s31;
	s1 =	sadd.s32 s1, s30  }
0xbd: {  	s0 =	sor.u32 s3, s0;
	s1 =	sshll.u32 s1, $0x11  }
0xbe: {  	s0 =	sor.u32 s1, s0  }
0xbf: {  	s0 =	sadd.s32 $0x8F2B, s0  }
0xc0: {  	[sflag:s0] =	ssyncadd.remote.s32 $0x1  }
0xc1: {  	_ =	sfence.sel $0xFFFF  }
0xc2: {  	[dreg:$0x0] =	wrdreg $0xFFFFFFFF;
	(pc) =	sbr.abs _section_cstart, $3  }
0xc3: {  	[dreg:$0x1] =	wrdreg $0xFFFFFFFF  }
0xc4: {  	_ =	task.clear_ibuf [dreg:s8], $0x2FFFF;
	_ =	strace $0x9FFFFFFF  }
0xc5: {  	(tm) =	ssettm $0x7FFFFFFF  }
tec
execute0_lowered:
.L_overlay_start_1:
0x0: {  	(tag) =	ssettag $0x1  }
0x1: {  	s4 =	rddreg [dreg:$0x0]  }
0x2: {  	s8 =	rddreg [dreg:$0x1]  }
0x3: {  	s9 =	rddreg [dreg:$0x2]  }
0x4: {  	s1 =	rddreg [dreg:$0x3]  }
0x5: {  	s0 =	rddreg [dreg:$0x4];
	s3 =	srdreg.scid  }
0x6: {  	s2 =	simm.s32 $0x0;
	s11 =	stileid.u32;
	s15 =	simm.s32 $0x6400  }
0x7: {  	s16 =	simm.s32 $0x3;
	s17 =	simm.s32 $0xC600;
	s18 =	simm.s32 $0x12800  }
0x8: {  	s19 =	simm.s32 $0x18A00;
	s20 =	simm.s32 $0x1;
	s21 =	simm.s32 $0x1F740  }
0x9: {  	s22 =	simm.s32 $0x0;
	s3 =	sand.u32 $0x1, s3;
	[smem:$0x7FF] =	sst s2  }
0xa: {  	s6 =	sshll.u32 s11, $0x1;
	p0 =	sne.s32 s11, $0x0;
	s11 =	simm.s32 $0x400  }
0xb: {  	s5 =	ssub.s32 $0x2, s3;
	_ =	strace $0x80000047;
	s10 =	sor.u32 s3, s6  }
0xc: {  	s3 =	sadd.s32 $0x800, s8;
	s6 =	sadd.s32 $0x1440, s8;
	s13 =	sshrl.u32 @!p0 s1, $0x3  }
0xd: {  	s7 =	sshrl.u32 s5, $0x1;
	s31 =	sshll.u32 s10, $0x7;
	s10 =	sshll.u32 s10, $0x4  }
0xe: {  	s12 =	ssub.s32 s5, s7;
	s4 =	sadd.s32 s4, s31;
	s5 =	sadd.s32 $0x6200, s1  }
0xf: {  	s7 =	sadd.s32 $0x2080, s8;
	s8 =	sadd.s32 $0x2CC0, s8;
	s9 =	sadd.s32 s9, s10  }
0x10: {  	s10 =	smax.u32 s12, $0x1;
	s12 =	simm.s32 $0x8000;
	s14 =	sshrl.u32 @!p0 s5, $0x3  }
.LBB2_1:
0x11: {  	_ =	strace $0x80000048  }
0x12: {  	[tilespmem:s2], [sflag:$0x1] =	stream.strided.gather [hbm4b:s4+s11], $0x6400, s12, s11, $0x200038;
	[tilespmem:$0x1F7C0] =	vst v63  }
0x13: {  	_ =	strace $0x90000048  }
0x14: {  	_ =	strace $0x80000049  }
0x15: {  	s23 =	simm.s32 @!p0 $0x1C03;
	[bflag:$0x0] =	sbarrier.arrive @p0 $0xFFFF  }
0x16: {  	[spmem:s13], [sflag:s23] =	dma.local @!p0 [hbm:s3], $0xC40  }
0x17: {  	s23 =	simm.s32 @!p0 $0x3  }
0x18: {  	_ =	swait.ge @!p0 [sflag:s23], $0xC40  }
0x19: {  	[sflag:s23] =	ssyncset.done @!p0 $0x0  }
0x1a: {  	[sflag:s23] =	ssyncadd.s32 @!p0 $0xFFFFF3C0  }
0x1b: {  	s23 =	simm.s32 @!p0 $0x1C02;
	[bflag:$0x0] =	sbarrier.arrive @!p0 $0xFFFF  }
0x1c: {  	[spmem:s14], [sflag:s23] =	dma.local @!p0 [hbm:s6], $0xC40  }
0x1d: {  	[tilespmem:s15], [sflag:$0x3] =	stream.linear.gather [spmem:s1], $0x6200, $0x200038;
	[tilespmem:$0x1F7C0] =	vst v63  }
0x1e: {  	_ =	swait.ge [sflag:s16], $0x6200  }
0x1f: {  	[sflag:s16] =	ssyncset.done $0x0  }
0x20: {  	[sflag:s16] =	ssyncadd.s32 $0xFFFF9E00  }
0x21: {  	s24 =	simm.s32 @!p0 $0x2;
	[bflag:$0x0] =	sbarrier.arrive @p0 $0xFFFF  }
0x22: {  	_ =	swait.ge @!p0 [sflag:s24], $0xC40  }
0x23: {  	[sflag:s24] =	ssyncset.done @!p0 $0x0  }
0x24: {  	[sflag:s24] =	ssyncadd.s32 @!p0 $0xFFFFF3C0  }
0x25: {  	[bflag:$0x0] =	sbarrier.arrive @!p0 $0xFFFF  }
0x26: {  	[spmem:s13], [sflag:s23] =	dma.local @!p0 [hbm:s7], $0xC40  }
0x27: {  	[tilespmem:s17], [sflag:$0x3] =	stream.linear.gather [spmem:s5], $0x6200, $0x200038;
	[tilespmem:$0x1F7C0] =	vst v63  }
0x28: {  	_ =	swait.ge [sflag:s16], $0x6200  }
0x29: {  	[sflag:s16] =	ssyncset.done $0x0  }
0x2a: {  	[sflag:s16] =	ssyncadd.s32 $0xFFFF9E00  }
0x2b: {  	[bflag:$0x0] =	sbarrier.arrive @p0 $0xFFFF  }
0x2c: {  	_ =	swait.ge @!p0 [sflag:s24], $0xC40  }
0x2d: {  	[sflag:s24] =	ssyncset.done @!p0 $0x0  }
0x2e: {  	[sflag:s24] =	ssyncadd.s32 @!p0 $0xFFFFF3C0  }
0x2f: {  	[bflag:$0x0] =	sbarrier.arrive @!p0 $0xFFFF  }
0x30: {  	[spmem:s14], [sflag:s23] =	dma.local @!p0 [hbm:s8], $0xC20  }
0x31: {  	[tilespmem:s18], [sflag:$0x3] =	stream.linear.gather [spmem:s1], $0x6200, $0x200038;
	[tilespmem:$0x1F7C0] =	vst v63  }
0x32: {  	_ =	swait.ge [sflag:s16], $0x6200  }
0x33: {  	[sflag:s16] =	ssyncset.done $0x0  }
0x34: {  	[sflag:s16] =	ssyncadd.s32 $0xFFFF9E00  }
0x35: {  	_ =	swait.ge @!p0 [sflag:s24], $0xC20  }
0x36: {  	[sflag:s24] =	ssyncset.done @!p0 $0x0  }
0x37: {  	[sflag:s24] =	ssyncadd.s32 @!p0 $0xFFFFF3E0  }
0x38: {  	[bflag:$0x0] =	sbarrier.arrive $0xFFFF  }
0x39: {  	[tilespmem:s19], [sflag:$0x3] =	stream.linear.gather [spmem:s5], $0x6100, $0x200038;
	[tilespmem:$0x1F7C0] =	vst v63  }
0x3a: {  	_ =	swait.ge [sflag:s16], $0x6100  }
0x3b: {  	[sflag:s16] =	ssyncset.done $0x0  }
0x3c: {  	[sflag:s16] =	ssyncadd.s32 $0xFFFF9F00  }
0x3d: {  	[bflag:$0x0] =	sbarrier.arrive $0xFFFF  }
0x3e: {  	_ =	swait.ge [sflag:s20], $0x6400  }
0x3f: {  	[sflag:s20] =	ssyncset.done $0x0  }
0x40: {  	[sflag:s20] =	ssyncadd.s32 $0xFFFF9C00  }
0x41: {  	_ =	strace $0x90000049  }
0x42: {  	s31 =	simm.s32 $0x0;
	_ =	strace $0x8000004A  }
0x43: {  	v0 =	vld [tilespmem:s31+$0x70]  }
0x44: {  	v1 =	vld [tilespmem:s31+$0x0]  }
0x45: {  	v2 =	vld [tilespmem:s31+$0x10]  }
0x46: {  	v3 =	vld [tilespmem:s31+$0x20]  }
0x47: {  	v4 =	vld [tilespmem:s31+$0x30]  }
0x48: {  	v5 =	vld [tilespmem:s31+$0x40]  }
0x49: {  	v6 =	vld [tilespmem:s31+$0x50]  }
0x4a: {  	v11 =	vld [tilespmem:s31+$0x60]  }
0x4b: {  	v0 =	vld.idx.msk [tilespmem:v0+s15+$0x0], $0xffff  }
0x4c: {  	v1 =	vld.idx.msk [tilespmem:v1+s15+$0x0], $0xffff  }
0x4d: {  	v13 =	vld.idx.msk [tilespmem:v2+s15+$0x0], $0xffff  }
0x4e: {  	v12 =	vld.idx.msk [tilespmem:v3+s15+$0x0], $0xffff  }
0x4f: {  	v10 =	vld.idx.msk [tilespmem:v4+s15+$0x0], $0xffff  }
0x50: {  	v7 =	vimm.f32 $0.0e+00;
	v2 =	vimm.f32 $0.0e+00;
	v9 =	vld.idx.msk [tilespmem:v5+s15+$0x0], $0xffff  }
0x51: {  	v8 =	vld.idx.msk [tilespmem:v6+s15+$0x0], $0xffff;
	v4 =	vimm.f32 $0.0e+00;
	v6 =	vimm.f32 $0.0e+00;
	v3 =	vimm.f32 $0.0e+00  }
0x52: {  	s23 =	simm.s32 $0x400;
	s24 =	simm.s32 $0x80;
	v11 =	vld.idx.msk [tilespmem:v11+s15+$0x0], $0xffff;
	v0 =	vadd.f32 v0, v2;
	v5 =	vadd.f32 v1, v2;
	v1 =	vimm.f32 $0.0e+00  }
.LBB2_2:
0x53: {  	p1 =	sne.s32 s23, $0x18E00;
	v14 =	vld [tilespmem:s24+$0x70];
	v2 =	vadd.f32 v13, v2  }
0x54: {  	v7 =	vadd.f32 v12, v7;
	v13 =	vld [tilespmem:s24+$0x0]  }
0x55: {  	v4 =	vadd.f32 v10, v4;
	v12 =	vld [tilespmem:s24+$0x10]  }
0x56: {  	v6 =	vadd.f32 v9, v6;
	v10 =	vld [tilespmem:s24+$0x20]  }
0x57: {  	v3 =	vadd.f32 v8, v3;
	v9 =	vld [tilespmem:s24+$0x30]  }
0x58: {  	v1 =	vadd.f32 v11, v1;
	v8 =	vld [tilespmem:s24+$0x40]  }
0x59: {  	v11 =	vld [tilespmem:s24+$0x50]  }
0x5a: {  	v15 =	vld [tilespmem:s24+$0x60]  }
0x5b: {  	v14 =	vld.idx.msk [tilespmem:v14+s15+$0x0], $0xffff  }
0x5c: {  	v16 =	vld.idx.msk [tilespmem:v13+s15+$0x0], $0xffff  }
0x5d: {  	v13 =	vld.idx.msk [tilespmem:v12+s15+$0x0], $0xffff  }
.Ltmp0:
0x5e: {  	v12 =	vld.idx.msk [tilespmem:v10+s15+$0x0], $0xffff;
	(pc) =	sbr.rel @p1 .LBB2_2-.Ltmp0, $4  }
0x5f: {  	v10 =	vld.idx.msk [tilespmem:v9+s15+$0x0], $0xffff  }
0x60: {  	v9 =	vld.idx.msk [tilespmem:v8+s15+$0x0], $0xffff  }
0x61: {  	v0 =	vadd.f32 v14, v0;
	v8 =	vld.idx.msk [tilespmem:v11+s15+$0x0], $0xffff  }
0x62: {  	s24 =	sshra.s32 s23, $0x2;
	s23 =	sadd.s32 $0x200, s23;
	v5 =	vadd.f32 v16, v5;
	v11 =	vld.idx.msk [tilespmem:v15+s15+$0x0], $0xffff  }
0x63: {  	v14 =	vld [tilespmem:s24+$0x70]  }
0x64: {  	v15 =	vld [tilespmem:s24+$0x0]  }
0x65: {  	v16 =	vld [tilespmem:s24+$0x10]  }
0x66: {  	v17 =	vld [tilespmem:s24+$0x20]  }
0x67: {  	v18 =	vld [tilespmem:s24+$0x30]  }
0x68: {  	v19 =	vld [tilespmem:s24+$0x40]  }
0x69: {  	v20 =	vld [tilespmem:s24+$0x50]  }
0x6a: {  	v21 =	vld [tilespmem:s24+$0x60]  }
0x6b: {  	v14 =	vld.idx.msk [tilespmem:v14+s15+$0x0], $0xffff  }
0x6c: {  	v15 =	vld.idx.msk [tilespmem:v15+s15+$0x0], $0xffff  }
0x6d: {  	v16 =	vld.idx.msk [tilespmem:v16+s15+$0x0], $0xffff  }
0x6e: {  	v17 =	vld.idx.msk [tilespmem:v17+s15+$0x0], $0xffff  }
0x6f: {  	v18 =	vld.idx.msk [tilespmem:v18+s15+$0x0], $0xffff  }
0x70: {  	v2 =	vadd.f32 v13, v2;
	v19 =	vld.idx.msk [tilespmem:v19+s15+$0x0], $0xffff  }
0x71: {  	v7 =	vadd.f32 v12, v7;
	v20 =	vld.idx.msk [tilespmem:v20+s15+$0x0], $0xffff;
	v5 =	vadd.f32 v15, v5  }
0x72: {  	v4 =	vadd.f32 v10, v4;
	v62 =	vld.idx.msk [tilespmem:v21+s15+$0x0], $0xffff;
	_ =	strace $0x9000004A;
	v2 =	vadd.f32 v16, v2  }
0x73: {  	v6 =	vadd.f32 v9, v6;
	_ =	strace $0x8000004B;
	v7 =	vadd.f32 v17, v7;
	[tilespmem:$0x1F740] =	vst v5  }
0x74: {  	v3 =	vadd.f32 v8, v3;
	v4 =	vadd.f32 v18, v4;
	[tilespmem:$0x1F750] =	vst v2  }
0x75: {  	v1 =	vadd.f32 v11, v1;
	v63 =	vadd.f32 v19, v6;
	[tilespmem:$0x1F760] =	vst v7  }
0x76: {  	v3 =	vadd.f32 v20, v3;
	[tilespmem:$0x1F770] =	vst v4  }
0x77: {  	v1 =	vadd.f32 v62, v1;
	[tilespmem:$0x1F780] =	vst v63  }
0x78: {  	v0 =	vadd.f32 v14, v0;
	[tilespmem:$0x1F790] =	vst v3  }
0x79: {  	s22 =	sadd.s32 $0x1, s22;
	[tilespmem:$0x1F7A0] =	vst v1  }
0x7a: {  	p1 =	sne.s32 s22, s10;
	[tilespmem:$0x1F7B0] =	vst v0  }
0x7b: {  	[hbm4b:s9+s2] =	stream.linear.scatter [tilespmem:s21], [sflag:$0x3], $0x80, $0x200038;
	[tilespmem:$0x1F7C0] =	vst v63  }
.Ltmp1:
0x7c: {  	_ = 	snop;
	(pc) =	sbr.rel @p1 .LBB2_1-.Ltmp1, $4  }
0x7d: {  	_ =	swait.ge [sflag:s16], $0x80  }
0x7e: {  	[sflag:s16] =	ssyncset.done $0x0  }
0x7f: {  	[sflag:s16] =	ssyncadd.s32 $0xFFFFFF80  }
0x80: {  	_ =	strace $0x9000004B  }
0x81: {  	_ =	sfence.sel $0x180000  }
0x82: {  	[bflag:$0x0] =	sbarrier.arrive $0xFFFF  }
0x83: {  	_ =	strace $0x90000047  }
0x84: {  	s0 =	sadd.s32 @!p0 $0x100000, s0;
	[bflag:$0x2] =	sbarrier.arrive $0xFFFF  }
0x85: {  	[sflag:s0] =	ssyncadd.tile.s32 @!p0 $0x1;
	_ =	shalt  }
.Lfunc_end2:
_tile_overlayer_lowered:
.L_overlay_start_2:
0x86: {  	(tag) =	ssettag $0x2  }
0x87: {  	s0 =	rddreg [dreg:$0x0];
	s2 =	stileid.u32  }
0x88: {  	s1 =	rddreg [dreg:$0x1];
	p0 =	sne.s32 s2, $0x0  }
0x89: {  	s3 =	rddreg [dreg:$0x2];
	[bflag:$0x3] =	sbarrier.arrive $0xFFFF;
	s2 =	simm.s32 @!p0 $0x1C03  }
0x8a: {  	[timem:s3], [sflag:s2] =	dma.local @!p0 [hbm:s0], s1  }
0x8b: {  	s0 =	simm.s32 @!p0 $0x3  }
0x8c: {  	_ =	swait.ge @!p0 [sflag:s0], s1  }
0x8d: {  	s1 =	ssub.s32 @!p0 $0x0, s1;
	[sflag:s0] =	ssyncset.done @!p0 $0x0  }
0x8e: {  	[sflag:s0] =	ssyncadd.s32 @!p0 s1  }
0x8f: {  	[bflag:$0x3] =	sbarrier.arrive $0xFFFF  }
0x90: {  	_ =	shalt  }

</sc_bundles>
